<compile_context>
chip_gen: v7x
topology: tpu7x:2x2x1
jax: 0.10.2.dev20260603
libtpu: 0.0.44.dev20260713+nightly
codegen_flags: <defaults>
</compile_context>

<pallas_src>
import jax
import jax.numpy as jnp
from jax.experimental import pallas as pl

FEAT = 64
SEQ = 1024
NS0, LPS0 = 24, 1
NS1, LPS1 = 7, 24
PERIOD = NS0 * LPS0 * NS1
BN = 32


PROWS = PERIOD * FEAT // 128
SROWS = SEQ * FEAT // 128


def _seasonal_kernel(z_ref, w0_ref, b0_ref, w1_ref, b1_ref, out_ref):
    z = z_ref[...]
    q0 = jnp.dot(z, w0_ref[...], preferred_element_type=jnp.float32) + b0_ref[...]
    q1 = jnp.dot(z, w1_ref[...], preferred_element_type=jnp.float32) + b1_ref[...]
    q0 = q0.reshape(BN, NS0 * FEAT // 128, 128)
    q1 = q1.reshape(BN, NS1, 128)
    tile0 = jnp.concatenate([q0] * NS1, axis=1)
    rep1 = jnp.repeat(q1, NS0 * FEAT // 128, axis=1)
    base = tile0 + rep1
    nfull = SROWS // PROWS
    for i in range(nfull):
        out_ref[:, i * PROWS:(i + 1) * PROWS, :] = base
    tail = SROWS - nfull * PROWS
    if tail:
        out_ref[:, nfull * PROWS:, :] = base[:, :tail, :]


def kernel(z, W0, b0, W1, b1):
    N, LATENT = z.shape
    W0r = W0.reshape(LATENT, FEAT, NS0).transpose(0, 2, 1).reshape(LATENT, FEAT * NS0)
    b0r = b0.reshape(FEAT, NS0).transpose(1, 0).reshape(1, FEAT * NS0)
    W1r = W1.reshape(LATENT, FEAT, NS1).transpose(0, 2, 1)
    W1r = jnp.concatenate([W1r, W1r], axis=2).reshape(LATENT, NS1 * 128)
    b1r = b1.reshape(FEAT, NS1).transpose(1, 0)
    b1r = jnp.concatenate([b1r, b1r], axis=1).reshape(1, NS1 * 128)

    grid = (N // BN,)
    out = pl.pallas_call(
        _seasonal_kernel,
        grid=grid,
        in_specs=[
            pl.BlockSpec((BN, LATENT), lambda i: (i, 0)),
            pl.BlockSpec((LATENT, FEAT * NS0), lambda i: (0, 0)),
            pl.BlockSpec((1, FEAT * NS0), lambda i: (0, 0)),
            pl.BlockSpec((LATENT, NS1 * 128), lambda i: (0, 0)),
            pl.BlockSpec((1, NS1 * 128), lambda i: (0, 0)),
        ],
        out_specs=pl.BlockSpec((BN, SROWS, 128), lambda i: (i, 0, 0)),
        out_shape=jax.ShapeDtypeStruct((N, SROWS, 128), jnp.float32),
    )(z, W0r, b0r, W1r, b1r)
    return out.reshape(N, SEQ, FEAT)

# --- scband reference (transcript-rebuilt; emitter-appended) ---
"""Pipeline reference for scband-seasonal-layer-9998683865523 (READ-ONLY COPY).

The authoritative reference and input builder live on the scoring server;
editing this copy changes nothing except your own understanding.
"""

import jax, jax.numpy as jnp
import numpy as np

FEAT_DIM = 64
SEQ_LEN = 1024
CUSTOM_SEAS = [(24, 1), (7, 24)]
LATENT_DIM = 64
BATCH = 512


def _season_indexes(num_seasons, len_per_season, seq_len):
    idx = np.repeat(np.arange(num_seasons), len_per_season)
    reps = seq_len // len_per_season + 1
    idx = np.tile(idx, reps)[:seq_len]
    return jnp.asarray(idx, dtype=jnp.int32)


def setup_inputs(seed: int = 0):
    key = jax.random.key(seed)
    ks = jax.random.split(key, 4)
    z = jax.random.normal(ks[0], (BATCH, LATENT_DIM), dtype=jnp.float32)
    W0 = jax.random.normal(ks[1], (LATENT_DIM, FEAT_DIM * CUSTOM_SEAS[0][0]), dtype=jnp.float32) * 0.02
    b0 = jnp.zeros((FEAT_DIM * CUSTOM_SEAS[0][0],), dtype=jnp.float32)
    W1 = jax.random.normal(ks[2], (LATENT_DIM, FEAT_DIM * CUSTOM_SEAS[1][0]), dtype=jnp.float32) * 0.02
    b1 = jnp.zeros((FEAT_DIM * CUSTOM_SEAS[1][0],), dtype=jnp.float32)
    return {"z": z, "W0": W0, "b0": b0, "W1": W1, "b1": b1}


def reference(z, W0, b0, W1, b1):
    dense = [(W0, b0), (W1, b1)]
    N = z.shape[0]
    all_seas_vals = []
    for (num_seasons, len_per_season), (W, b) in zip(CUSTOM_SEAS, dense):
        season_params = z @ W + b                              # (N, feat_dim*num_seasons)
        season_params = season_params.reshape(N, FEAT_DIM, num_seasons)
        season_idx = _season_indexes(num_seasons, len_per_season, SEQ_LEN)  # (seq_len,)
        # tf.gather(season_params, dim2_idxes, batch_dims=-1) with idx broadcast over
        # batch dims (N, feat_dim) reduces to a gather along the last axis:
        season_vals = jnp.take(season_params, season_idx, axis=2)  # (N, feat_dim, seq_len)
        all_seas_vals.append(season_vals)
    out = jnp.stack(all_seas_vals, axis=-1)      # (N, feat_dim, seq_len, n_seas)
    out = jnp.sum(out, axis=-1)                  # (N, feat_dim, seq_len)
    out = jnp.transpose(out, (0, 2, 1))          # (N, seq_len, feat_dim)
    return out

if __name__ == "__main__":
    import jax
    _d = setup_inputs()
    print(jax.jit(kernel)(*tuple(_d.values())))

</pallas_src>

<mosaic_0001>
module attributes {stable_mosaic.version = 14 : i64} {
  func.func @_seasonal_kernel(%arg0: i32, %arg1: memref<32x64xf32, #tpu.memory_space<vmem>>, %arg2: memref<64x1536xf32, #tpu.memory_space<vmem>>, %arg3: memref<1x1536xf32, #tpu.memory_space<vmem>>, %arg4: memref<64x896xf32, #tpu.memory_space<vmem>>, %arg5: memref<1x896xf32, #tpu.memory_space<vmem>>, %arg6: memref<32x512x128xf32, #tpu.memory_space<vmem>>) attributes {dimension_semantics = [#tpu.dimension_semantics<arbitrary>], iteration_bounds = array<i64: 16>, scalar_prefetch = 0 : i64, scratch_operands = 0 : i64, tpu.core_type = #tpu.core_type<tc>, window_params = [{transform_indices = @transform_0, window_bounds = array<i64: 32, 64>}, {pipeline_mode = #tpu.pipeline_mode<synchronous>, transform_indices = @transform_1, window_bounds = array<i64: 64, 1536>}, {pipeline_mode = #tpu.pipeline_mode<synchronous>, transform_indices = @transform_2, window_bounds = array<i64: 1, 1536>}, {pipeline_mode = #tpu.pipeline_mode<synchronous>, transform_indices = @transform_3, window_bounds = array<i64: 64, 896>}, {pipeline_mode = #tpu.pipeline_mode<synchronous>, transform_indices = @transform_4, window_bounds = array<i64: 1, 896>}, {transform_indices = @transform_5, window_bounds = array<i64: 32, 512, 128>}]} {
    %get3A = arith.constant 0 : index
    %get3A_0 = arith.constant 0 : index
    %get3A_1 = vector.load %arg1[%get3A, %get3A_0] : memref<32x64xf32, #tpu.memory_space<vmem>>, vector<32x64xf32>
    %get3A_2 = arith.constant 0 : index
    %get3A_3 = arith.constant 0 : index
    %get3A_4 = vector.load %arg2[%get3A_2, %get3A_3] : memref<64x1536xf32, #tpu.memory_space<vmem>>, vector<64x1536xf32>
    %dot_general3A = arith.constant dense<0.000000e+00> : vector<32x1536xf32>
    %dot_general3A_5 = tpu.matmul %get3A_1, %get3A_4, %dot_general3A {dimension_numbers = #tpu.dot_dimension_numbers<[1], [0], [0], [1], [0, 0, 1, 1], [], []>, transpose_lhs_hint = false} : vector<32x64xf32>, vector<64x1536xf32>, vector<32x1536xf32> -> vector<32x1536xf32>
    %get3A_6 = arith.constant 0 : index
    %get3A_7 = arith.constant 0 : index
    %get3A_8 = vector.load %arg3[%get3A_6, %get3A_7] : memref<1x1536xf32, #tpu.memory_space<vmem>>, vector<1x1536xf32>
    %add3A = vector.broadcast %get3A_8 : vector<1x1536xf32> to vector<32x1536xf32>
    %add3A_9 = arith.addf %dot_general3A_5, %add3A : vector<32x1536xf32>
    %get3A_10 = arith.constant 0 : index
    %get3A_11 = arith.constant 0 : index
    %get3A_12 = vector.load %arg4[%get3A_10, %get3A_11] : memref<64x896xf32, #tpu.memory_space<vmem>>, vector<64x896xf32>
    %dot_general3A_13 = arith.constant dense<0.000000e+00> : vector<32x896xf32>
    %dot_general3A_14 = tpu.matmul %get3A_1, %get3A_12, %dot_general3A_13 {dimension_numbers = #tpu.dot_dimension_numbers<[1], [0], [0], [1], [0, 0, 1, 1], [], []>, transpose_lhs_hint = false} : vector<32x64xf32>, vector<64x896xf32>, vector<32x896xf32> -> vector<32x896xf32>
    %get3A_15 = arith.constant 0 : index
    %get3A_16 = arith.constant 0 : index
    %get3A_17 = vector.load %arg5[%get3A_15, %get3A_16] : memref<1x896xf32, #tpu.memory_space<vmem>>, vector<1x896xf32>
    %add3A_18 = vector.broadcast %get3A_17 : vector<1x896xf32> to vector<32x896xf32>
    %add3A_19 = arith.addf %dot_general3A_14, %add3A_18 : vector<32x896xf32>
    %reshape3A = vector.shape_cast %add3A_9 : vector<32x1536xf32> to vector<32x12x128xf32>
    %reshape3A_20 = vector.shape_cast %add3A_19 : vector<32x896xf32> to vector<32x7x128xf32>
    %concatenate3A = tpu.concatenate %reshape3A, %reshape3A, %reshape3A, %reshape3A, %reshape3A, %reshape3A, %reshape3A in 1 : vector<32x12x128xf32>, vector<32x12x128xf32>, vector<32x12x128xf32>, vector<32x12x128xf32>, vector<32x12x128xf32>, vector<32x12x128xf32>, vector<32x12x128xf32> -> vector<32x84x128xf32>
    %broadcast_in_dim3A = vector.shape_cast %reshape3A_20 : vector<32x7x128xf32> to vector<32x7x1x128xf32>
    %broadcast_in_dim3A_21 = vector.broadcast %broadcast_in_dim3A : vector<32x7x1x128xf32> to vector<32x7x12x128xf32>
    %reshape3A_22 = vector.shape_cast %broadcast_in_dim3A_21 : vector<32x7x12x128xf32> to vector<32x84x128xf32>
    %add3A_23 = arith.addf %concatenate3A, %reshape3A_22 : vector<32x84x128xf32>
    %swap3A = arith.constant 0 : index
    %swap3A_24 = arith.constant 0 : index
    %swap3A_25 = arith.constant 0 : index
    %swap3A_26 = vector.load %arg6[%swap3A, %swap3A_24, %swap3A_25] : memref<32x512x128xf32, #tpu.memory_space<vmem>>, vector<32x84x128xf32>
    tpu.vector_store %arg6[%swap3A, %swap3A_24, %swap3A_25], %add3A_23 {strides = array<i32>} : memref<32x512x128xf32, #tpu.memory_space<vmem>>, vector<32x84x128xf32>,
    %swap3A_27 = arith.constant 0 : index
    %swap3A_28 = arith.constant 84 : index
    %swap3A_29 = arith.constant 0 : index
    %swap3A_30 = vector.load %arg6[%swap3A_27, %swap3A_28, %swap3A_29] : memref<32x512x128xf32, #tpu.memory_space<vmem>>, vector<32x84x128xf32>
    tpu.vector_store %arg6[%swap3A_27, %swap3A_28, %swap3A_29], %add3A_23 {strides = array<i32>} : memref<32x512x128xf32, #tpu.memory_space<vmem>>, vector<32x84x128xf32>,
    %swap3A_31 = arith.constant 0 : index
    %swap3A_32 = arith.constant 168 : index
    %swap3A_33 = arith.constant 0 : index
    %swap3A_34 = vector.load %arg6[%swap3A_31, %swap3A_32, %swap3A_33] : memref<32x512x128xf32, #tpu.memory_space<vmem>>, vector<32x84x128xf32>
    tpu.vector_store %arg6[%swap3A_31, %swap3A_32, %swap3A_33], %add3A_23 {strides = array<i32>} : memref<32x512x128xf32, #tpu.memory_space<vmem>>, vector<32x84x128xf32>,
    %swap3A_35 = arith.constant 0 : index
    %swap3A_36 = arith.constant 252 : index
    %swap3A_37 = arith.constant 0 : index
    %swap3A_38 = vector.load %arg6[%swap3A_35, %swap3A_36, %swap3A_37] : memref<32x512x128xf32, #tpu.memory_space<vmem>>, vector<32x84x128xf32>
    tpu.vector_store %arg6[%swap3A_35, %swap3A_36, %swap3A_37], %add3A_23 {strides = array<i32>} : memref<32x512x128xf32, #tpu.memory_space<vmem>>, vector<32x84x128xf32>,
    %swap3A_39 = arith.constant 0 : index
    %swap3A_40 = arith.constant 336 : index
    %swap3A_41 = arith.constant 0 : index
    %swap3A_42 = vector.load %arg6[%swap3A_39, %swap3A_40, %swap3A_41] : memref<32x512x128xf32, #tpu.memory_space<vmem>>, vector<32x84x128xf32>
    tpu.vector_store %arg6[%swap3A_39, %swap3A_40, %swap3A_41], %add3A_23 {strides = array<i32>} : memref<32x512x128xf32, #tpu.memory_space<vmem>>, vector<32x84x128xf32>,
    %swap3A_43 = arith.constant 0 : index
    %swap3A_44 = arith.constant 420 : index
    %swap3A_45 = arith.constant 0 : index
    %swap3A_46 = vector.load %arg6[%swap3A_43, %swap3A_44, %swap3A_45] : memref<32x512x128xf32, #tpu.memory_space<vmem>>, vector<32x84x128xf32>
    tpu.vector_store %arg6[%swap3A_43, %swap3A_44, %swap3A_45], %add3A_23 {strides = array<i32>} : memref<32x512x128xf32, #tpu.memory_space<vmem>>, vector<32x84x128xf32>,
    %slice3A = vector.extract_strided_slice %add3A_23 {offsets = [0, 0, 0], sizes = [32, 8, 128], strides = [1, 1, 1]} : vector<32x84x128xf32> to vector<32x8x128xf32>
    %swap3A_47 = arith.constant 0 : index
    %swap3A_48 = arith.constant 504 : index
    %swap3A_49 = arith.constant 0 : index
    %swap3A_50 = vector.load %arg6[%swap3A_47, %swap3A_48, %swap3A_49] : memref<32x512x128xf32, #tpu.memory_space<vmem>>, vector<32x8x128xf32>
    tpu.vector_store %arg6[%swap3A_47, %swap3A_48, %swap3A_49], %slice3A {strides = array<i32>} : memref<32x512x128xf32, #tpu.memory_space<vmem>>, vector<32x8x128xf32>,
    return
  }
  func.func @transform_0(%arg0: i32) -> (i32, i32) {
    %c0_i32 = arith.constant 0 : i32
    %c0_i32_0 = arith.constant 0 : i32
    return %arg0, %c0_i32 : i32, i32
  }
  func.func @transform_1(%arg0: i32) -> (i32, i32) {
    %c0_i32 = arith.constant 0 : i32
    %c0_i32_0 = arith.constant 0 : i32
    %c0_i32_1 = arith.constant 0 : i32
    return %c0_i32, %c0_i32_0 : i32, i32
  }
  func.func @transform_2(%arg0: i32) -> (i32, i32) {
    %c0_i32 = arith.constant 0 : i32
    %c0_i32_0 = arith.constant 0 : i32
    %c0_i32_1 = arith.constant 0 : i32
    return %c0_i32, %c0_i32_0 : i32, i32
  }
  func.func @transform_3(%arg0: i32) -> (i32, i32) {
    %c0_i32 = arith.constant 0 : i32
    %c0_i32_0 = arith.constant 0 : i32
    %c0_i32_1 = arith.constant 0 : i32
    return %c0_i32, %c0_i32_0 : i32, i32
  }
  func.func @transform_4(%arg0: i32) -> (i32, i32) {
    %c0_i32 = arith.constant 0 : i32
    %c0_i32_0 = arith.constant 0 : i32
    %c0_i32_1 = arith.constant 0 : i32
    return %c0_i32, %c0_i32_0 : i32, i32
  }
  func.func @transform_5(%arg0: i32) -> (i32, i32, i32) {
    %c0_i32 = arith.constant 0 : i32
    %c0_i32_0 = arith.constant 0 : i32
    %c0_i32_1 = arith.constant 0 : i32
    return %arg0, %c0_i32, %c0_i32_0 : i32, i32, i32
  }
}

</mosaic_0001>

<sc_bundles>
// kernel: sparse-core-data-format-call.cloned.1.call-start
scs
called_computation_lowered:
.L_overlay_start_0:
0x0: {  	s2 =	sld [smem:$0x3FD9]  }
0x1: {  	s3 =	sld [smem:$0x3FFE];
	_ =	sdelay $0x1  }
0x2: {  	s1 =	srdreg.scid  }
0x3: {  	s0 =	sand.u32 $0x1, s1  }
0x4: {  	s18 =	sshll.u32 s0, $0xA;
	s2 =	sadd.s32 s3, s2  }
0x5: {  	s2 =	sadd.s32 s2, s18  }
0x6: {  	[smem:$0x3FC3] =	sst s2  }
0x7: {  	_ = 	snop  }
0x8: {  	s2 =	sld [smem:$0x3FD0];
	(tm) =	ssettm $0x1  }
0x9: {  	s19 =	sld [smem:$0x3FFB];
	_ =	sdelay $0x3  }
0xa: {  	_ =	strace s19  }
0xb: {  	s3 =	sld [smem:$0x3FFC];
	_ =	sdelay $0x3  }
0xc: {  	_ =	strace s3  }
0xd: {  	s3 =	sld [smem:$0x3FFD];
	_ =	sdelay $0x3  }
0xe: {  	_ =	strace s3  }
0xf: {  	_ =	strace $0x8FFFFFFF  }
0x10: {  	s20 =	sld [smem:$0x3FDB];
	_ =	sdelay $0x1  }
0x11: {  	s4 =	simm.s32 $_scs_section_size  }
0x12: {  	s5 =	simm.s32 $_size__tile_overlayer_lowered;
	s6 =	simm.s32 $_tile_overlayer_lowered  }
0x13: {  	s23 =	simm.s32 $0x1BFF;
	s22 =	sshll.u32 s6, $0x1;
	s3 =	sadd.s32 s4, s20  }
0x14: {  	s7 =	simm.s32 $0x0;
	s21 =	sshll.u32 s5, $0x1;
	s5 =	sadd.s32 s22, s3  }
0x15: {  	[timem:s7], [sflag:s23] =	dma.local [hbm:s5], s21  }
0x16: {  	_ =	swait.ge [sflag:s23], s21  }
0x17: {  	s4 =	ssub.s32 $0x0, s21;
	[sflag:s23] =	ssyncset.done $0x0  }
0x18: {  	[sflag:s23] =	ssyncadd.s32 s4;
	_ =	sdelay $0x1  }
0x19: {  	s24 =	simm.s32 $0x1B8B  }
0x1a: {  	_ =	swait.ge [sflag:s24], $0x1  }
0x1b: {  	[sflag:s24] =	ssyncset.done $0x0  }
0x1c: {  	s26 =	simm.s32 $0x1B8E;
	s25 =	sld [smem:$0x3FFE];
	[sflag:s24] =	ssyncadd.s32 $0xFFFFFFFF  }
0x1d: {  	s27 =	simm.s32 $execute0_lowered;
	[smem:$0x3FD2] =	sst s26  }
0x1e: {  	s5 =	sshll.u32 s27, $0x1;
	_ =	strace $0x80000046;
	[dreg:$0x1] =	wrdreg $0xFFFFFFFF  }
0x1f: {  	s28 =	simm.s32 $_size_execute0_lowered;
	s3 =	sadd.s32 s3, s5;
	[dreg:$0x0] =	wrdreg $0x0  }
0x20: {  	s5 =	sshll.u32 s28, $0x1;
	[dreg:$0x2] =	wrdreg s3  }
0x21: {  	[dreg:$0x3] =	wrdreg s5  }
0x22: {  	[dreg:$0x4] =	wrdreg $0xC0  }
0x23: {  	_ =	task [dreg:s7], $0x5FFFF  }
0x24: {  	[dreg:$0x1] =	wrdreg $0xFFFFFFFF  }
0x25: {  	[dreg:$0x0] =	wrdreg $0x60  }
0x26: {  	[dreg:$0x2] =	wrdreg s25  }
0x27: {  	[dreg:$0x3] =	wrdreg s2  }
0x28: {  	[dreg:$0x4] =	wrdreg $0x9  }
0x29: {  	_ =	task.clear_ibuf [dreg:s7], $0x5FFFF;
	_ =	strace $0x90000046  }
0x2a: {  	s29 =	simm.s32 $0x9;
	_ =	strace $0x80000048  }
0x2b: {  	_ =	swait.ge [sflag:s29], $0x1  }
0x2c: {  	[sflag:s29] =	ssyncadd.s32 $0xFFFFFFFF  }
0x2d: {  	_ =	strace $0x90000048  }
0x2e: {  	_ =	sfence  }
0x2f: {  	s30 =	sld [smem:$0x0];
	_ =	sdelay $0x2  }
0x30: {  	s31 =	sshll.u32 s1, $0xD;
	s1 =	sshrl.u32 s1, $0x2  }
0x31: {  	s3 =	sand.u32 $0x4000, s31;
	s1 =	sadd.s32 s1, s30  }
0x32: {  	s0 =	sor.u32 s3, s0;
	s1 =	sshll.u32 s1, $0x11  }
0x33: {  	s0 =	sor.u32 s1, s0  }
0x34: {  	s0 =	sadd.s32 $0x8F2B, s0  }
0x35: {  	[sflag:s0] =	ssyncadd.remote.s32 $0x1  }
0x36: {  	_ =	sfence.sel $0xFFFF  }
0x37: {  	[dreg:$0x0] =	wrdreg $0xFFFFFFFF;
	(pc) =	sbr.abs _section_cstart, $3  }
0x38: {  	[dreg:$0x1] =	wrdreg $0xFFFFFFFF  }
0x39: {  	_ =	task.clear_ibuf [dreg:s7], $0x2FFFF;
	_ =	strace $0x9FFFFFFF  }
0x3a: {  	(tm) =	ssettm $0x7FFFFFFF  }
0x3b: {  	_ =	shalt  }
tec
execute0_lowered:
.L_overlay_start_1:
0x0: {  	(tag) =	ssettag $0x1  }
0x1: {  	s4 =	rddreg [dreg:$0x0]  }
0x2: {  	s0 =	stileid.u32;
	s2 =	rddreg [dreg:$0x1]  }
0x3: {  	s1 =	rddreg [dreg:$0x2];
	_ =	strace $0x80000047;
	s5 =	srdreg.scid  }
0x4: {  	s31 =	simm.s32 $0x2;
	s14 =	simm.s32 $0x0;
	s9 =	simm.s32 $0x10000  }
0x5: {  	s16 =	simm.s32 $0x0;
	s15 =	simm.s32 $0x0;
	s3 =	sshll.u32 s0, $0x7  }
0x6: {  	s10 =	simm.s32 $0x0;
	s5 =	sshll.u32 s5, $0x4;
	s3 =	sand.u32 $0x380, s3  }
0x7: {  	s13 =	simm.s32 $0x0;
	s5 =	sand.u32 $0x10, s5;
	s6 =	ssub.s32 $0x400, s3  }
0x8: {  	s4 =	sadd.s32 $0x400, s4;
	s5 =	sor.u32 s0, s5;
	s7 =	sand.u32 $0x380, s6  }
.Ltmp0:
0x9: {  	p0 =	sne.s32 s7, $0x0;
	s7 =	simm.s32 $0x1;
	(pc) =	sbr.rel .LBB1_1-.Ltmp0, $4  }
0xa: {  	s12 =	smov.u32 s3;
	s8 =	sshrl.u32 s6, $0xA;
	s7 =	simm.s32 @!p0 $0x0  }
0xb: {  	s5 =	sshrl.u32 s5, $0x3;
	s6 =	simm.s32 $0x1;
	s7 =	sadd.s32 s7, s8  }
0xc: {  	[sflag:s6] =	ssyncpa.u1 $0x0;
	s11 =	smov.u32 s5;
	s7 =	sshll.u32 s7, $0x6  }
0xd: {  	[sflag:s31] =	ssyncpa.u1 $0x0;
	p0 =	por $0x0, $0x0;
	s8 =	sor.u32 $0x1, s7  }
.LBB1_4:
0xe: {  	v5 =	vld [tilespmem:s20+$0xFFFFFFD0];
	[tilespmem:s19+$0x2040 ss:$0x81] =	vst.msk $0xffff, v1  }
0xf: {  	v58 =	vld [tilespmem:s20+$0xFFFFFFE0];
	[tilespmem:s19+$0x2850 ss:$0x81] =	vst.msk $0xffff, v2  }
0x10: {  	s21 =	sshra.s32 s21, $0x2;
	v59 =	vld [tilespmem:s20+$0xFFFFFFF0];
	[tilespmem:s19+$0x3060 ss:$0x81] =	vst.msk $0xffff, v3  }
0x11: {  	v60 =	vld [tilespmem:s20+$0x0];
	[tilespmem:s19+$0x0 ss:$0x81] =	vst.msk $0xffff, v0;
	s18 =	sadd.s32 s21, s18  }
0x12: {  	v61 =	vld [tilespmem:s20+$0x10];
	[tilespmem:s18+$0x3870 ss:$0x81] =	vst.msk $0xffff, v4  }
0x13: {  	v62 =	vld [tilespmem:s20+$0x20];
	s26 =	sshll.u32 s16, $0xA;
	s27 =	sshll.u32 s15, $0x3;
	[tilespmem:s18+$0x810 ss:$0x81] =	vst.msk $0xffff, v5  }
0x14: {  	v63 =	vld [tilespmem:s20+$0xFFFFFFC0];
	s29 =	sshll.u32 s16, $0x7;
	s30 =	sand.u32 $0x78, s15;
	s14 =	sshll.u32 s14, $0xD;
	[tilespmem:s18+$0x1020 ss:$0x81] =	vst.msk $0xffff, v58  }
0x15: {  	s19 =	sand.u32 $0xE000, s26;
	s28 =	sand.u32 $0xFC00, s27;
	s16 =	sand.u32 $0x380, s29;
	[tilespmem:s18+$0x1830 ss:$0x81] =	vst.msk $0xffff, v59  }
0x16: {  	s31 =	sand.u32 $0x7, s15;
	s19 =	sadd.s32 s28, s19;
	s16 =	sor.u32 s30, s16;
	[tilespmem:s18+$0x2040 ss:$0x81] =	vst.msk $0xffff, v60  }
0x17: {  	s14 =	sadd.s32 s2, s14;
	s19 =	sshrl.u32 s19, $0x3;
	s16 =	sshrl.u32 s16, $0x3;
	[tilespmem:s18+$0x2850 ss:$0x81] =	vst.msk $0xffff, v61  }
0x18: {  	s15 =	sshll.u32 s31, $0x12;
	s19 =	sand.u32 $0x1F80, s19;
	s14 =	sadd.s32 s16, s14;
	[tilespmem:s18+$0x3060 ss:$0x81] =	vst.msk $0xffff, v62  }
0x19: {  	s15 =	sor.u32 $0x80, s15;
	[tilespmem:s18+$0x0 ss:$0x81] =	vst.msk $0xffff, v63;
	s14 =	sadd.s32 s19, s14  }
0x1a: {  	[hbm4b:s14+s15] =	stream.strided.scatter [tilespmem:s17], [sflag:$0x2], $0x4000, s9, s15, $0x20;
	[tilespmem:$0x10100] =	vst v63  }
.LBB1_5:
0x1b: {  	s17 =	sadd.s32 $0x80, s10  }
0x1c: {  	s14 =	sadd.s32 $0x4, s11;
	s18 =	smov.u32 s11;
	p2 =	sgt.s32 s17, $0x1FF  }
0x1d: {  	s18 =	smov.u32 @p2 s14  }
0x1e: {  	s20 =	smov.u32 s12;
	s14 =	sadd.s32 $0x400, s12;
	p3 =	sgt.s32 s18, $0x3F  }
0x1f: {  	s20 =	smov.u32 @p3 s14  }
0x20: {  	s17 =	simm.s32 @p2 $0x0;
	p2 =	sgt.s32 s20, $0x3FF  }
0x21: {  	p1 =	slt.u32 s13, $0x2;
	s20 =	smov.u32 @p2 s3;
	p2 =	sne.s32 s13, s8  }
.Ltmp1:
0x22: {  	s19 =	simm.s32 @!p1 $0x2;
	(pc) =	sbr.rel @!p2 .LBB1_6-.Ltmp1, $4  }
0x23: {  	s16 =	smov.u32 s11;
	s15 =	smov.u32 s12;
	_ =	swait.ge @!p1 [sflag:s19], $0x4000  }
0x24: {  	p0 =	por !p0, !p0;
	[sflag:s19] =	ssyncset.done @!p1 $0x0;
	s18 =	smov.u32 @p3 s5  }
0x25: {  	s14 =	smov.u32 s10;
	[sflag:s19] =	ssyncadd.s32 @!p1 $0xFFFFC000;
	s10 =	smov.u32 s17  }
0x26: {  	s11 =	smov.u32 s18;
	s13 =	sadd.s32 $0x1, s13;
	s12 =	smov.u32 s20  }
.LBB1_1:
0x27: {  	p1 =	sge.u32 s13, s7  }
0x28: {  	s31 =	sadd.s32 $0xFFFFFFFF, s13;
	s17 =	sxor.u32 @!p1 $0xFFFFFFFF, s13  }
0x29: {  	s18 =	sshll.u32 @!p1 s11, $0x9;
	s19 =	sshll.u32 @!p1 s10, $0x3;
	s20 =	sshll.u32 @!p1 s11, $0x7  }
0x2a: {  	s21 =	sand.u32 @!p1 $0x78, s10;
	s18 =	sand.u32 @!p1 $0x7000, s18;
	s19 =	sand.u32 @!p1 $0x7C00, s19  }
0x2b: {  	s17 =	sshll.u32 @!p1 s17, $0xE;
	s18 =	sadd.s32 @!p1 s18, s19;
	s19 =	sand.u32 @!p1 $0x200, s20  }
0x2c: {  	s17 =	sand.u32 @!p1 $0x4000, s17;
	s18 =	sor.u32 @!p1 s19, s18;
	s19 =	sand.u32 @!p1 $0x180, s20  }
0x2d: {  	s20 =	sshll.u32 @!p1 s12, $0xC;
	s19 =	sor.u32 @!p1 s21, s19;
	s18 =	sshrl.u32 @!p1 s18, $0x3  }
0x2e: {  	s20 =	sadd.s32 @!p1 s4, s20;
	s21 =	sand.u32 @!p1 $0x7, s10;
	s19 =	sshrl.u32 @!p1 s19, $0x3  }
0x2f: {  	s18 =	sand.u32 @!p1 $0xFC0, s18;
	s19 =	sadd.s32 @!p1 s19, s20;
	s20 =	sshll.u32 @!p1 s21, $0x12  }
0x30: {  	s18 =	sadd.s32 @!p1 s18, s19;
	s19 =	sor.u32 @!p1 $0x80, s20;
	s20 =	simm.s32 @!p1 $0x8000  }
0x31: {  	[tilespmem:s17], [sflag:$0x1] =	stream.strided.gather @!p1 [hbm4b:s18+s19], $0x4000, s20, s19, $0x38;
	[tilespmem:$0x10100] =	vst v63  }
0x32: {  	p1 =	sge.u32 s31, s7  }
.Ltmp2:
0x33: {  	_ = 	snop;
	(pc) =	sbr.rel @p1 .LBB1_5-.Ltmp2, $1  }
0x34: {  	_ =	sdelay $0x3  }
0x35: {  	s17 =	simm.s32 $0x1  }
0x36: {  	_ =	swait.ge [sflag:s6], $0x4000;
	s17 =	simm.s32 @!p0 $0x0  }
0x37: {  	[sflag:s6] =	ssyncset.done $0x0;
	s18 =	sshll.u32 s17, $0xE  }
0x38: {  	[sflag:s6] =	ssyncadd.s32 $0xFFFFC000;
	s20 =	sor.u32 $0x40, s18  }
0x39: {  	s17 =	smul.u32 $0x10200, s17;
	v0 =	vld [tilespmem:s20+$0x30]  }
0x3a: {  	v3 =	vld [tilespmem:s20+$0xFFFFFFD0]  }
0x3b: {  	s17 =	sshrl.u32 s17, $0x2;
	v4 =	vld [tilespmem:s20+$0xFFFFFFE0]  }
0x3c: {  	v5 =	vld [tilespmem:s20+$0xFFFFFFF0];
	s18 =	sor.u32 $0x8000, s17  }
0x3d: {  	s31 =	sand.u32 $0x1, s13;
	v1 =	vld [tilespmem:s20+$0x0];
	s19 =	sadd.s32 $0x0, s18  }
0x3e: {  	v2 =	vld [tilespmem:s20+$0x10];
	s17 =	smul.u32 $0x10200, s31;
	[tilespmem:s19+$0x3870 ss:$0x81] =	vst.msk $0xffff, v0  }
0x3f: {  	[tilespmem:s19+$0x810 ss:$0x81] =	vst.msk $0xffff, v3;
	v3 =	vld [tilespmem:s20+$0x20]  }
0x40: {  	s17 =	sshrl.u32 s17, $0x2;
	v0 =	vld [tilespmem:s20+$0xFFFFFFC0];
	[tilespmem:s19+$0x1020 ss:$0x81] =	vst.msk $0xffff, v4;
	s20 =	sadd.s32 $0x80, s20  }
0x41: {  	s21 =	simm.s32 $0x4;
	s22 =	simm.s32 $0x8;
	s17 =	sor.u32 $0x8000, s17;
	[tilespmem:s19+$0x1830 ss:$0x81] =	vst.msk $0xffff, v5;
	v4 =	vld [tilespmem:s20+$0x30]  }
.LBB1_3:
0x42: {  	p1 =	sne.s32 s22, $0x1FC;
	v5 =	vld [tilespmem:s20+$0xFFFFFFD0];
	[tilespmem:s19+$0x2040 ss:$0x81] =	vst.msk $0xffff, v1  }
0x43: {  	v6 =	vld [tilespmem:s20+$0xFFFFFFE0];
	[tilespmem:s19+$0x2850 ss:$0x81] =	vst.msk $0xffff, v2  }
0x44: {  	s23 =	sshra.s32 s21, $0x2;
	s21 =	smov.u32 s22;
	v7 =	vld [tilespmem:s20+$0xFFFFFFF0];
	[tilespmem:s19+$0x3060 ss:$0x81] =	vst.msk $0xffff, v3  }
.Ltmp3:
0x45: {  	v1 =	vld [tilespmem:s20+$0x0];
	[tilespmem:s19+$0x0 ss:$0x81] =	vst.msk $0xffff, v0;
	s19 =	sadd.s32 s23, s18;
	(pc) =	sbr.rel @p1 .LBB1_3-.Ltmp3, $4  }
0x46: {  	v2 =	vld [tilespmem:s20+$0x10];
	[tilespmem:s19+$0x3870 ss:$0x81] =	vst.msk $0xffff, v4  }
0x47: {  	[tilespmem:s19+$0x810 ss:$0x81] =	vst.msk $0xffff, v5;
	v3 =	vld [tilespmem:s20+$0x20]  }
0x48: {  	v0 =	vld [tilespmem:s20+$0xFFFFFFC0];
	[tilespmem:s19+$0x1020 ss:$0x81] =	vst.msk $0xffff, v6;
	s20 =	sadd.s32 $0x80, s20  }
0x49: {  	s22 =	sadd.s32 $0x4, s22;
	v4 =	vld [tilespmem:s20+$0x30];
	[tilespmem:s19+$0x1830 ss:$0x81] =	vst.msk $0xffff, v7  }
.Ltmp4:
0x4a: {  	_ = 	snop;
	(pc) =	sbr.rel .LBB1_4-.Ltmp4, $1  }
0x4b: {  	_ =	sdelay $0x3  }
.LBB1_6:
0x4c: {  	_ =	sfence.sel $0x180000  }
0x4d: {  	s2 =	simm.s32 $0x1;
	[bflag:$0x0] =	sbarrier.arrive $0xFFFF  }
0x4e: {  	s31 =	simm.s32 $0x2;
	[sflag:s2] =	ssyncpa.u1 $0x1  }
0x4f: {  	[sflag:s31] =	ssyncpa.u1 $0x1  }
0x50: {  	p0 =	sne.s32 s0, $0x0;
	_ =	strace $0x90000047  }
0x51: {  	s0 =	sadd.s32 @!p0 $0x100000, s1;
	[bflag:$0x2] =	sbarrier.arrive $0xFFFF  }
0x52: {  	[sflag:s0] =	ssyncadd.tile.s32 @!p0 $0x1;
	_ =	shalt  }
.Lfunc_end1:
_tile_overlayer_lowered:
.L_overlay_start_2:
0x53: {  	(tag) =	ssettag $0x2  }
0x54: {  	s0 =	rddreg [dreg:$0x0];
	s2 =	stileid.u32  }
0x55: {  	s1 =	rddreg [dreg:$0x1];
	p0 =	sne.s32 s2, $0x0  }
0x56: {  	s3 =	rddreg [dreg:$0x2];
	[bflag:$0x3] =	sbarrier.arrive $0xFFFF;
	s2 =	simm.s32 @!p0 $0x1C01  }
0x57: {  	[timem:s3], [sflag:s2] =	dma.local @!p0 [hbm:s0], s1  }
0x58: {  	s0 =	simm.s32 @!p0 $0x1  }
0x59: {  	_ =	swait.ge @!p0 [sflag:s0], s1  }
0x5a: {  	s1 =	ssub.s32 @!p0 $0x0, s1;
	[sflag:s0] =	ssyncset.done @!p0 $0x0  }
0x5b: {  	[sflag:s0] =	ssyncadd.s32 @!p0 s1  }
0x5c: {  	[bflag:$0x3] =	sbarrier.arrive $0xFFFF  }
0x5d: {  	_ =	shalt  }

</sc_bundles>
